<compile_context>
chip_gen: v7x
topology: tpu7x:2x2x1
jax: 0.10.2.dev20260603
libtpu: 0.0.44.dev20260713+nightly
codegen_flags: <defaults>
</compile_context>

<pallas_src>
import jax
import jax.numpy as jnp
from jax.experimental import pallas as pl
from jax.experimental.pallas import tpu as pltpu

VOCAB = 1000000
EMBED = 16
N_IDX = 16384

BV = 131072
GRID = (VOCAB + BV - 1) // BV


def _tc_body(g_ref, wt_ref, b_ref, o_ref):
    emb_row = jnp.reshape(
        g_ref[...].sum(axis=1) * (1.0 / N_IDX), (1, EMBED)
    )
    y = jax.lax.dot_general(
        emb_row, wt_ref[...], (((1,), (0,)), ((), ())),
        preferred_element_type=jnp.float32,
    )
    o_ref[...] = jnp.reshape(y, (BV,)) + b_ref[...]


def kernel(inputs, emb_table, W, b):
    gathered_t = jnp.take(emb_table, inputs, axis=0).T
    out = pl.pallas_call(
        _tc_body,
        grid=(GRID,),
        in_specs=[
            pl.BlockSpec((EMBED, N_IDX), lambda i: (0, 0)),
            pl.BlockSpec((EMBED, BV), lambda i: (0, i)),
            pl.BlockSpec((BV,), lambda i: (i,)),
        ],
        out_specs=pl.BlockSpec((BV,), lambda i: (i,)),
        out_shape=jax.ShapeDtypeStruct((VOCAB,), jnp.float32),
        compiler_params=pltpu.CompilerParams(
            dimension_semantics=("arbitrary",),
        ),
    )(gathered_t, W.T, b)
    return out

# --- scband reference (transcript-rebuilt; emitter-appended) ---
"""Pipeline reference for scband-word2-vec-72765335928992 (READ-ONLY COPY).

The authoritative reference and input builder live on the scoring server;
editing this copy changes nothing except your own understanding.
"""

import jax, jax.numpy as jnp
import numpy as np

VOCAB = 1000000
EMBED = 16
N_IDX = 16384

def setup_inputs(seed: int = 0) -> dict:
    key = jax.random.key(seed)
    k_idx, k_emb, k_w, k_b = jax.random.split(key, 4)
    inputs = jax.random.randint(k_idx, (N_IDX,), 0, VOCAB, dtype=jnp.int64 if jax.config.jax_enable_x64 else jnp.int32)
    emb_table = jax.random.normal(k_emb, (VOCAB, EMBED), dtype=jnp.float32)
    # nn.Linear(embedding_dim, vocab_size): weight [vocab, embed], bias [vocab]
    lim = 1.0 / np.sqrt(EMBED)
    W = jax.random.uniform(k_w, (VOCAB, EMBED), minval=-lim, maxval=lim, dtype=jnp.float32)
    b = jax.random.uniform(k_b, (VOCAB,), minval=-lim, maxval=lim, dtype=jnp.float32)
    return {"inputs": inputs, "emb_table": emb_table, "W": W, "b": b}

def reference(inputs, emb_table, W, b):
    # embeds = self.embeddings(inputs).mean(dim=0)
    embeds = jnp.take(emb_table, inputs, axis=0).mean(axis=0)  # [EMBED]
    # out = self.linear(embeds)
    out = W @ embeds + b  # [VOCAB]
    return out

if __name__ == "__main__":
    import jax
    _d = setup_inputs()
    print(jax.jit(kernel)(*tuple(_d.values())))

</pallas_src>

<mosaic_0001>
module attributes {stable_mosaic.version = 14 : i64} {
  func.func @_tc_body(%arg0: i32, %arg1: memref<16x16384xf32, #tpu.memory_space<vmem>>, %arg2: memref<16x131072xf32, #tpu.memory_space<vmem>>, %arg3: memref<131072xf32, #tpu.memory_space<vmem>>, %arg4: memref<131072xf32, #tpu.memory_space<vmem>>) attributes {dimension_semantics = [#tpu.dimension_semantics<arbitrary>], iteration_bounds = array<i64: 8>, scalar_prefetch = 0 : i64, scratch_operands = 0 : i64, tpu.core_type = #tpu.core_type<tc>, window_params = [{pipeline_mode = #tpu.pipeline_mode<synchronous>, transform_indices = @transform_0, window_bounds = array<i64: 16, 16384>}, {transform_indices = @transform_1, window_bounds = array<i64: 16, 131072>}, {transform_indices = @transform_2, window_bounds = array<i64: 131072>}, {transform_indices = @transform_3, window_bounds = array<i64: 131072>}]} {
    %get3A = arith.constant 0 : index
    %get3A_0 = arith.constant 0 : index
    %get3A_1 = vector.load %arg1[%get3A, %get3A_0] : memref<16x16384xf32, #tpu.memory_space<vmem>>, vector<16x16384xf32>
    %reduce_sum3A = arith.constant dense<0.000000e+00> : vector<16xf32>
    %reduce_sum3A_2 = vector.multi_reduction <add>, %get3A_1, %reduce_sum3A [1] : vector<16x16384xf32> to vector<16xf32>
    %mul3A = arith.constant 6.10351563E-5 : f32
    %mul3A_3 = vector.broadcast %mul3A : f32 to vector<16xf32>
    %mul3A_4 = arith.mulf %reduce_sum3A_2, %mul3A_3 : vector<16xf32>
    %reshape3A = vector.shape_cast %mul3A_4 : vector<16xf32> to vector<1x16xf32>
    %get3A_5 = arith.constant 0 : index
    %get3A_6 = arith.constant 0 : index
    %get3A_7 = vector.load %arg2[%get3A_5, %get3A_6] : memref<16x131072xf32, #tpu.memory_space<vmem>>, vector<16x131072xf32>
    %dot_general3A = arith.constant dense<0.000000e+00> : vector<1x131072xf32>
    %dot_general3A_8 = tpu.matmul %reshape3A, %get3A_7, %dot_general3A {dimension_numbers = #tpu.dot_dimension_numbers<[1], [0], [0], [1], [0, 0, 1, 1], [], []>, transpose_lhs_hint = false} : vector<1x16xf32>, vector<16x131072xf32>, vector<1x131072xf32> -> vector<1x131072xf32>
    %reshape3A_9 = vector.shape_cast %dot_general3A_8 : vector<1x131072xf32> to vector<131072xf32>
    %get3A_10 = arith.constant 0 : index
    %get3A_11 = vector.load %arg3[%get3A_10] : memref<131072xf32, #tpu.memory_space<vmem>>, vector<131072xf32>
    %add3A = arith.addf %reshape3A_9, %get3A_11 : vector<131072xf32>
    %swap3A = arith.constant 0 : index
    %swap3A_12 = vector.load %arg4[%swap3A] : memref<131072xf32, #tpu.memory_space<vmem>>, vector<131072xf32>
    tpu.vector_store %arg4[%swap3A], %add3A {strides = array<i32>} : memref<131072xf32, #tpu.memory_space<vmem>>, vector<131072xf32>,
    return
  }
  func.func @transform_0(%arg0: i32) -> (i32, i32) {
    %c0_i32 = arith.constant 0 : i32
    %c0_i32_0 = arith.constant 0 : i32
    %c0_i32_1 = arith.constant 0 : i32
    return %c0_i32, %c0_i32_0 : i32, i32
  }
  func.func @transform_1(%arg0: i32) -> (i32, i32) {
    %c0_i32 = arith.constant 0 : i32
    %c0_i32_0 = arith.constant 0 : i32
    return %c0_i32, %arg0 : i32, i32
  }
  func.func @transform_2(%arg0: i32) -> i32 {
    %c0_i32 = arith.constant 0 : i32
    return %arg0 : i32
  }
  func.func @transform_3(%arg0: i32) -> i32 {
    %c0_i32 = arith.constant 0 : i32
    return %arg0 : i32
  }
}

</mosaic_0001>

<sc_bundles>
// kernel: gather_offload_async_start
scs
__scs_entry_jumppad:
0x0: {  	(pc) =	sbr.rel $0x88, $3  }
0x1: {  	(tag) =	ssettag $0x0;
	lr =	simm.s32 $0x1  }
0x2: {  	[smem:$0x3F9D] =	sst lr;
	_ =	strace $0xD0000000  }
0x3: {  	_ = 	snop  }
0x4: {  	_ = 	snop  }
0x5: {  	_ = 	snop  }
0x6: {  	_ = 	snop  }
0x7: {  	_ = 	snop  }
__scs_overlays_trampoline_lowered:
0x8: {  	[smem:$0x3FAC] =	sst s0  }
0x9: {  	[smem:$0x3FAD] =	sst s1  }
0xa: {  	[smem:$0x3FAE] =	sst s2  }
0xb: {  	[smem:$0x3FAF] =	sst s3  }
0xc: {  	[smem:$0x3FB0] =	sst s4  }
0xd: {  	[smem:$0x3FB1] =	sst s5  }
0xe: {  	[smem:$0x3FB2] =	sst s6  }
0xf: {  	[smem:$0x3FB3] =	sst s7  }
0x10: {  	[smem:$0x3FB4] =	sst s8  }
0x11: {  	[smem:$0x3FB5] =	sst s9;
	s0 =	simm.s32 @!p0 $0x0  }
0x12: {  	s1 =	sld [smem:$0x3F9B];
	s0 =	simm.s32 @p0 $0x1  }
0x13: {  	[smem:$0x3FB6] =	sst s0;
	s0 =	simm.s32 @!p1 $0x0  }
0x14: {  	s2 =	sld [smem:$0x3F9A];
	s0 =	simm.s32 @p1 $0x1  }
0x15: {  	[smem:$0x3FB7] =	sst s0;
	s0 =	simm.s32 @!p2 $0x0  }
0x16: {  	s3 =	sld [smem:$0x3FDB];
	s0 =	simm.s32 @p2 $0x1  }
0x17: {  	s4 =	simm.s32 $0x1BF5;
	[smem:$0x3FB9] =	sst s0  }
0x18: {  	s0 =	sld [smem:$0x3F9C];
	_ =	swait.ge [sflag:s4], $0x0  }
0x19: {  	s7 =	sld [smem:$0x3F9D]  }
0x1a: {  	s8 =	sadd.s32 $0xFFFFE003, lr  }
0x1b: {  	s9 =	sadd.s32 $0xFFFFFEF7, lr;
	s5 =	simm.s32 $0xFFFFFFFF;
	p2 =	slt.u32 s8, $0xFFFFF086  }
0x1c: {  	p1 =	slt.u32 s9, $0xF7A;
	s5 =	simm.s32 @!p2 $0x0  }
0x1d: {  	s5 =	simm.s32 @p1 $0x1;
	p0 =	seq.s32 s7, s2  }
0x1e: {  	s7 =	smul.u32 @!p0 $0xF7A, s2;
	p2 =	seq.s32 @!p0 s5, $0x0  }
0x1f: {  	s9 =	smul.u32 $0xF7A, s1;
	s8 =	simm.s32 @!p0 $0x1BF5;
	p2 =	por !p2, p0  }
0x20: {  	[sflag:s8] =	ssyncset.s32 @!p0 $0xFFFFF086;
	s6 =	sadd.s32 @!p0 s3, s7;
	s7 =	simm.s32 @!p0 $0x108  }
0x21: {  	s3 =	sadd.s32 s3, s9;
	s6 =	sadd.s32 @!p0 $0x88, s6;
	s7 =	simm.s32 @p2 $0x1082  }
0x22: {  	[simem:s7], [sflag:s8] =	dma.local @!p0 [hbm:s6], $0xF7A  }
0x23: {  	s9 =	sor.u32 $0xD0000000, s2;
	s6 =	simm.s32 $0x108;
	_ =	swait.ge @!p0 [sflag:s8], $0x0  }
0x24: {  	s3 =	sadd.s32 $0x88, s3;
	s6 =	simm.s32 @!p1 $0x1082;
	[sflag:s4] =	ssyncset.s32 $0xFFFFF086  }
0x25: {  	[simem:s6], [sflag:s4] =	dma.local [hbm:s3], $0xF7A  }
0x26: {  	[smem:$0x3F9D] =	sst s1;
	(tag) =	ssettag s2;
	_ =	strace s9  }
0x27: {  	s1 =	sld [smem:$0x3FAD]  }
0x28: {  	s2 =	sld [smem:$0x3FAE]  }
0x29: {  	s4 =	sld [smem:$0x3FB0]  }
0x2a: {  	p0 =	seq.s32 s5, $0x0;
	s5 =	sld [smem:$0x3FB1]  }
0x2b: {  	s6 =	sld [smem:$0x3FB2]  }
0x2c: {  	s7 =	sld [smem:$0x3FB3]  }
0x2d: {  	s3 =	simm.s32 $0x108;
	s8 =	sld [smem:$0x3FB4]  }
0x2e: {  	s3 =	simm.s32 @!p0 $0x1082;
	s9 =	sld [smem:$0x3FB5]  }
0x2f: {  	lr =	sadd.s32 s0, s3;
	s0 =	sld [smem:$0x3FAC]  }
0x30: {  	s3 =	sld [smem:$0x3FAF]  }
0x31: {  	[smem:$0x3FB8] =	sst s10  }
0x32: {  	s10 =	sld [smem:$0x3FB6];
	_ =	sdelay $0x3  }
0x33: {  	p0 =	seq.s32 s10, $0x1;
	s10 =	sld [smem:$0x3FB8];
	_ =	sdelay $0x3  }
0x34: {  	[smem:$0x3FB8] =	sst s10  }
0x35: {  	s10 =	sld [smem:$0x3FB7];
	_ =	sdelay $0x3  }
0x36: {  	p1 =	seq.s32 s10, $0x1;
	s10 =	sld [smem:$0x3FB8];
	_ =	sdelay $0x3  }
0x37: {  	[smem:$0x3FB8] =	sst s10  }
0x38: {  	s10 =	sld [smem:$0x3FB9]  }
0x39: {  	_ = 	snop;
	(pc) =	sbr.ind lr, $3  }
0x3a: {  	_ = 	snop  }
0x3b: {  	_ = 	snop  }
0x3c: {  	p2 =	seq.s32 s10, $0x1;
	s10 =	sld [smem:$0x3FB8]  }
0x3d: {  	_ =	shalt  }
0x3e: {  	_ =	shalt  }
0x3f: {  	_ =	shalt  }
0x40: {  	_ =	shalt  }
0x41: {  	_ =	shalt  }
0x42: {  	_ =	shalt  }
0x43: {  	_ =	shalt  }
0x44: {  	_ =	shalt  }
0x45: {  	_ =	shalt  }
0x46: {  	_ =	shalt  }
0x47: {  	_ =	shalt  }
0x48: {  	_ =	shalt  }
0x49: {  	_ =	shalt  }
0x4a: {  	_ =	shalt  }
0x4b: {  	_ =	shalt  }
0x4c: {  	_ =	shalt  }
0x4d: {  	_ =	shalt  }
0x4e: {  	_ =	shalt  }
0x4f: {  	_ =	shalt  }
0x50: {  	_ =	shalt  }
0x51: {  	_ =	shalt  }
0x52: {  	_ =	shalt  }
0x53: {  	_ =	shalt  }
0x54: {  	_ =	shalt  }
0x55: {  	_ =	shalt  }
0x56: {  	_ =	shalt  }
0x57: {  	_ =	shalt  }
0x58: {  	_ =	shalt  }
0x59: {  	_ =	shalt  }
0x5a: {  	_ =	shalt  }
0x5b: {  	_ =	shalt  }
0x5c: {  	_ =	shalt  }
0x5d: {  	_ =	shalt  }
0x5e: {  	_ =	shalt  }
0x5f: {  	_ =	shalt  }
0x60: {  	_ =	shalt  }
0x61: {  	_ =	shalt  }
0x62: {  	_ =	shalt  }
0x63: {  	_ =	shalt  }
0x64: {  	_ =	shalt  }
0x65: {  	_ =	shalt  }
0x66: {  	_ =	shalt  }
0x67: {  	_ =	shalt  }
0x68: {  	_ =	shalt  }
0x69: {  	_ =	shalt  }
0x6a: {  	_ =	shalt  }
0x6b: {  	_ =	shalt  }
0x6c: {  	_ =	shalt  }
0x6d: {  	_ =	shalt  }
0x6e: {  	_ =	shalt  }
0x6f: {  	_ =	shalt  }
0x70: {  	_ =	shalt  }
0x71: {  	_ =	shalt  }
0x72: {  	_ =	shalt  }
0x73: {  	_ =	shalt  }
0x74: {  	_ =	shalt  }
0x75: {  	_ =	shalt  }
0x76: {  	_ =	shalt  }
0x77: {  	_ =	shalt  }
0x78: {  	_ =	shalt  }
0x79: {  	_ =	shalt  }
0x7a: {  	_ =	shalt  }
0x7b: {  	_ =	shalt  }
0x7c: {  	_ =	shalt  }
0x7d: {  	_ =	shalt  }
0x7e: {  	_ =	shalt  }
0x7f: {  	_ =	shalt  }
0x80: {  	_ =	shalt  }
0x81: {  	_ =	shalt  }
0x82: {  	_ =	shalt  }
0x83: {  	_ =	shalt  }
0x84: {  	_ =	shalt  }
0x85: {  	_ =	shalt  }
0x86: {  	_ =	shalt  }
0x87: {  	_ =	shalt  }
.Lfunc_end0:
.L_simem_size_0:
called_computation_lowered:
.L_overlay_start_0:
0x88: {  	s2 =	sld [smem:$0x3FD9]  }
0x89: {  	s3 =	sld [smem:$0x3FFE];
	_ =	sdelay $0x1  }
0x8a: {  	s1 =	srdreg.scid  }
0x8b: {  	s0 =	sand.u32 $0x1, s1  }
0x8c: {  	s17 =	sshll.u32 s0, $0xA;
	s2 =	sadd.s32 s3, s2  }
0x8d: {  	s2 =	sadd.s32 s2, s17  }
0x8e: {  	[smem:$0x3FC4] =	sst s2  }
0x8f: {  	_ = 	snop  }
0x90: {  	s2 =	sld [smem:$0x3FC8]  }
0x91: {  	s18 =	sld [smem:$0x3FD0];
	(tm) =	ssettm $0x1  }
0x92: {  	s4 =	sld [smem:$0x3FFB];
	_ =	sdelay $0x3  }
0x93: {  	_ =	strace s4  }
0x94: {  	s4 =	sld [smem:$0x3FFC];
	_ =	sdelay $0x3  }
0x95: {  	_ =	strace s4  }
0x96: {  	s4 =	sld [smem:$0x3FFD];
	_ =	sdelay $0x3  }
0x97: {  	_ =	strace s4  }
0x98: {  	_ =	strace $0x8FFFFFFF  }
0x99: {  	s19 =	sld [smem:$0x3FDB];
	_ =	sdelay $0x1  }
0x9a: {  	s5 =	simm.s32 $_scs_section_size  }
0x9b: {  	s6 =	simm.s32 $_size__tile_overlayer_lowered;
	s7 =	simm.s32 $_tile_overlayer_lowered  }
0x9c: {  	s22 =	simm.s32 $0x1BFF;
	s21 =	sshll.u32 s7, $0x1;
	s4 =	sadd.s32 s5, s19  }
0x9d: {  	s8 =	simm.s32 $0x0;
	s20 =	sshll.u32 s6, $0x1;
	s6 =	sadd.s32 s21, s4  }
0x9e: {  	[timem:s8], [sflag:s22] =	dma.local [hbm:s6], s20  }
0x9f: {  	_ =	swait.ge [sflag:s22], s20  }
0xa0: {  	s5 =	ssub.s32 $0x0, s20;
	[sflag:s22] =	ssyncset.done $0x0  }
0xa1: {  	[sflag:s22] =	ssyncadd.s32 s5;
	_ =	sdelay $0x1  }
0xa2: {  	s23 =	simm.s32 $0x1B8B  }
0xa3: {  	_ =	swait.ge [sflag:s23], $0x1  }
0xa4: {  	[sflag:s23] =	ssyncset.done $0x0  }
0xa5: {  	s25 =	simm.s32 $0x1B8E;
	s24 =	sld [smem:$0x3FFE];
	[sflag:s23] =	ssyncadd.s32 $0xFFFFFFFF  }
0xa6: {  	s26 =	simm.s32 $execute0_lowered;
	[smem:$0x3FD2] =	sst s25  }
0xa7: {  	s6 =	sshll.u32 s26, $0x1;
	_ =	strace $0x80000046;
	[dreg:$0x1] =	wrdreg $0xFFFFFFFF  }
0xa8: {  	s28 =	simm.s32 $_size_execute0_lowered;
	s4 =	sadd.s32 s4, s6;
	[dreg:$0x0] =	wrdreg $0x0  }
0xa9: {  	s6 =	sshll.u32 s28, $0x1;
	[dreg:$0x2] =	wrdreg s4  }
0xaa: {  	[dreg:$0x3] =	wrdreg s6  }
0xab: {  	[dreg:$0x4] =	wrdreg $0xC0  }
0xac: {  	_ =	task [dreg:s8], $0x5FFFF  }
0xad: {  	[dreg:$0x1] =	wrdreg $0xFFFFFFFF  }
0xae: {  	[dreg:$0x0] =	wrdreg $0x60  }
0xaf: {  	[dreg:$0x2] =	wrdreg s2  }
0xb0: {  	[dreg:$0x3] =	wrdreg s24  }
0xb1: {  	[dreg:$0x4] =	wrdreg s18  }
0xb2: {  	[dreg:$0x5] =	wrdreg $0x9  }
0xb3: {  	_ =	task.clear_ibuf [dreg:s8], $0x6FFFF;
	_ =	strace $0x90000046  }
0xb4: {  	s29 =	simm.s32 $0x9;
	_ =	strace $0x80000048  }
0xb5: {  	_ =	swait.ge [sflag:s29], $0x1  }
0xb6: {  	[sflag:s29] =	ssyncadd.s32 $0xFFFFFFFF  }
0xb7: {  	_ =	strace $0x90000048  }
0xb8: {  	_ =	sfence  }
0xb9: {  	s30 =	sld [smem:$0x0];
	_ =	sdelay $0x2  }
0xba: {  	s31 =	sshll.u32 s1, $0xD;
	s1 =	sshrl.u32 s1, $0x2  }
0xbb: {  	s3 =	sand.u32 $0x4000, s31;
	s1 =	sadd.s32 s1, s30  }
0xbc: {  	s0 =	sor.u32 s3, s0;
	s1 =	sshll.u32 s1, $0x11  }
0xbd: {  	s0 =	sor.u32 s1, s0  }
0xbe: {  	s0 =	sadd.s32 $0x8F2B, s0  }
0xbf: {  	[sflag:s0] =	ssyncadd.remote.s32 $0x1  }
0xc0: {  	_ =	sfence.sel $0xFFFF  }
0xc1: {  	[dreg:$0x0] =	wrdreg $0xFFFFFFFF;
	(pc) =	sbr.abs _section_cstart, $3  }
0xc2: {  	[dreg:$0x1] =	wrdreg $0xFFFFFFFF  }
0xc3: {  	_ =	task.clear_ibuf [dreg:s8], $0x2FFFF;
	_ =	strace $0x9FFFFFFF  }
0xc4: {  	(tm) =	ssettm $0x7FFFFFFF  }
0xc5: {  	_ =	shalt  }
tec
execute0_lowered:
.L_overlay_start_1:
0x0: {  	(tag) =	ssettag $0x1  }
0x1: {  	s2 =	rddreg [dreg:$0x0];
	s1 =	srdreg.scid  }
0x2: {  	s5 =	rddreg [dreg:$0x1];
	s0 =	stileid.u32  }
0x3: {  	s3 =	rddreg [dreg:$0x2];
	s10 =	simm.s32 $0x3;
	s1 =	sshll.u32 s1, $0x9  }
0x4: {  	s11 =	simm.s32 $0x0;
	s4 =	sshll.u32 s0, $0xA;
	s6 =	sand.u32 $0x200, s1  }
0x5: {  	s13 =	simm.s32 $0x0;
	s12 =	simm.s32 $0x0;
	s4 =	sor.u32 s4, s6  }
0x6: {  	s1 =	rddreg [dreg:$0x3];
	_ =	strace $0x80000047;
	s6 =	sshrl.u32 s4, $0x3  }
0x7: {  	s7 =	ssub.s32 $0x4000, s4;
	s8 =	sadd.s32 s6, s5;
	s5 =	simm.s32 $0x1  }
.Ltmp0:
0x8: {  	s6 =	simm.s32 $0x2;
	s9 =	sand.u32 $0x3E00, s7;
	(pc) =	sbr.rel .LBB2_1-.Ltmp0, $4  }
0x9: {  	s7 =	sshrl.u32 s7, $0xE;
	p0 =	sne.s32 s9, $0x0;
	s9 =	simm.s32 $0x1  }
0xa: {  	[sflag:s5] =	ssyncpa.u1 $0x0;
	s8 =	sadd.s32 $0x800, s8;
	s9 =	simm.s32 @!p0 $0x0  }
0xb: {  	[sflag:s6] =	ssyncpa.u1 $0x0;
	p0 =	por $0x0, $0x0;
	s7 =	sadd.s32 s9, s7  }
0xc: {  	vm0 =	vmmov $0xffff;
	[sflag:s10] =	ssyncpa.u1 $0x0;
	s9 =	sadd.s32 $0x4000, s3;
	s10 =	sadd.s32 $0x1, s7  }
.LBB2_4:
0xd: {  	_ =	sdelay $0x3  }
0xe: {  	[tilespmem:s19], [sflag:$0x1] =	stream.indirect_vreg.gather [hbm4b:s2+s11], $0x1, v0, vm0, $0x4038;
	[tilespmem:$0x4400] =	vst v63  }
0xf: {  	s16 =	sshll.u32 s13, $0x3  }
0x10: {  	s30 =	sand.u32 $0x78, s13;
	s16 =	sand.u32 $0x7FFFFC00, s16  }
0x11: {  	_ =	swait.ge [sflag:s5], $0x2000;
	s13 =	sor.u32 s30, s16  }
0x12: {  	[sflag:s5] =	ssyncset.done $0x0;
	s13 =	sshrl.u32 s13, $0x3  }
0x13: {  	[sflag:s5] =	ssyncadd.s32 $0xFFFFE000;
	s31 =	sadd.s32 s3, s13  }
0x14: {  	[hbm:s31] =	stream.linear.scatter [tilespmem:s15], [sflag:$0x3], $0x1000, $0x38;
	[tilespmem:$0x4400] =	vst v63  }
0x15: {  	s14 =	sadd.s32 $0x1400, s14;
	s13 =	sadd.s32 s13, s9  }
0x16: {  	[hbm:s13] =	stream.linear.scatter [tilespmem:s14], [sflag:$0x3], $0x1000, $0x38;
	[tilespmem:$0x4400] =	vst v63  }
.LBB2_5:
0x17: {  	p2 =	sne.s32 s12, s10  }
.Ltmp1:
0x18: {  	p1 =	slt.u32 s12, $0x2;
	(pc) =	sbr.rel @!p2 .LBB2_6-.Ltmp1, $4  }
0x19: {  	s13 =	simm.s32 @!p1 $0x3  }
0x1a: {  	_ =	swait.ge @!p1 [sflag:s13], $0x2000  }
0x1b: {  	s14 =	sadd.s32 $0x1, s12;
	p0 =	por !p0, !p0;
	[sflag:s13] =	ssyncset.done @!p1 $0x0  }
0x1c: {  	s12 =	smov.u32 s14;
	[sflag:s13] =	ssyncadd.s32 @!p1 $0xFFFFE000;
	s13 =	smov.u32 s4  }
.LBB2_1:
0x1d: {  	p1 =	sge.u32 s12, s7  }
0x1e: {  	s14 =	sxor.u32 @!p1 $0xFFFFFFFF, s12  }
0x1f: {  	s14 =	sshll.u32 @!p1 s14, $0x9  }
0x20: {  	s31 =	sadd.s32 $0xFFFFFFFF, s12;
	s15 =	simm.s32 @!p1 $0x0;
	s14 =	sand.u32 @!p1 $0x200, s14  }
0x21: {  	[tilespmem:s14], [sflag:$0x2] =	stream.linear.gather @!p1 [hbm4b:s8+s15], $0x200, $0x38;
	[tilespmem:$0x4400] =	vst v63  }
0x22: {  	p1 =	sge.u32 s31, s7  }
.Ltmp2:
0x23: {  	_ = 	snop;
	(pc) =	sbr.rel @p1 .LBB2_5-.Ltmp2, $1  }
0x24: {  	_ =	sdelay $0x3  }
0x25: {  	s14 =	simm.s32 $0x1;
	_ =	swait.ge [sflag:s6], $0x200  }
0x26: {  	s14 =	simm.s32 @!p0 $0x0;
	[sflag:s6] =	ssyncset.done $0x0  }
0x27: {  	s17 =	sshll.u32 s14, $0x9;
	[sflag:s6] =	ssyncadd.s32 $0xFFFFFE00  }
0x28: {  	v0 =	vld.msk [tilespmem:s17+$0x0 ss:$0x1], $0xffff;
	_ =	sdelay $0x4  }
0x29: {  	vm1 =	vgt.s32 v0, $0x0  }
0x2a: {  	v0 =	vnsel vm1, $0x0, v0  }
0x2b: {  	v0 =	vmin.u32 v0, $0xF423F  }
0x2c: {  	v1 =	vshll.u32 v0, $0x3  }
0x2d: {  	v0 =	vand.u32 $0x7F, v0;
	v1 =	vand.u32 $0x7FFC00, v1  }
0x2e: {  	s30 =	sshll.u32 s12, $0xD;
	v0 =	vor.u32 v0, v1  }
0x2f: {  	s16 =	simm.s32 $0x0;
	s14 =	sand.u32 $0x2000, s30  }
0x30: {  	s18 =	sand.u32 $0xC00, s16;
	s15 =	sor.u32 $0x400, s14  }
0x31: {  	s19 =	sand.u32 $0x70, s16;
	(ifvalue) =	ssetifvalue $0x7FFFFFFF;
	s18 =	sadd.s32 s18, s15;
	v1 =	vor.u32 $0x80, v0  }
0x32: {  	(ifvalue) =	ssetifvalue $0x7FFFFFFF;
	s18 =	sadd.s32 s19, s18  }
0x33: {  	[tilespmem:s18], [sflag:$0x1] =	stream.indirect_vreg.gather [hbm4b:s2+s11], $0x1, v0, vm0, $0x4038;
	[tilespmem:$0x4400] =	vst v63  }
0x34: {  	v2 =	vor.u32 $0x100, v0;
	(ifvalue) =	ssetifvalue $0x7FFFFFFF  }
0x35: {  	s19 =	sadd.s32 $0x80, s18;
	(ifvalue) =	ssetifvalue $0x7FFFFFFF  }
0x36: {  	[tilespmem:s19], [sflag:$0x1] =	stream.indirect_vreg.gather [hbm4b:s2+s11], $0x1, v1, vm0, $0x4038;
	[tilespmem:$0x4400] =	vst v63  }
0x37: {  	v1 =	vor.u32 $0x180, v0;
	(ifvalue) =	ssetifvalue $0x7FFFFFFF  }
0x38: {  	s31 =	sadd.s32 $0x100, s18;
	(ifvalue) =	ssetifvalue $0x7FFFFFFF  }
0x39: {  	[tilespmem:s31], [sflag:$0x1] =	stream.indirect_vreg.gather [hbm4b:s2+s11], $0x1, v2, vm0, $0x4038;
	[tilespmem:$0x4400] =	vst v63  }
0x3a: {  	v2 =	vor.u32 $0x200, v0;
	(ifvalue) =	ssetifvalue $0x7FFFFFFF  }
0x3b: {  	s20 =	sadd.s32 $0x180, s18;
	(ifvalue) =	ssetifvalue $0x7FFFFFFF  }
0x3c: {  	[tilespmem:s20], [sflag:$0x1] =	stream.indirect_vreg.gather [hbm4b:s2+s11], $0x1, v1, vm0, $0x4038;
	[tilespmem:$0x4400] =	vst v63  }
0x3d: {  	(ifvalue) =	ssetifvalue $0x7FFFFFFF;
	v1 =	vor.u32 $0x280, v0  }
0x3e: {  	s21 =	sadd.s32 $0x200, s18;
	(ifvalue) =	ssetifvalue $0x7FFFFFFF  }
0x3f: {  	[tilespmem:s21], [sflag:$0x1] =	stream.indirect_vreg.gather [hbm4b:s2+s11], $0x1, v2, vm0, $0x4038;
	[tilespmem:$0x4400] =	vst v63  }
0x40: {  	(ifvalue) =	ssetifvalue $0x7FFFFFFF;
	v2 =	vor.u32 $0x300, v0  }
0x41: {  	s22 =	sadd.s32 $0x280, s18;
	(ifvalue) =	ssetifvalue $0x7FFFFFFF  }
0x42: {  	[tilespmem:s22], [sflag:$0x1] =	stream.indirect_vreg.gather [hbm4b:s2+s11], $0x1, v1, vm0, $0x4038;
	[tilespmem:$0x4400] =	vst v63  }
0x43: {  	(ifvalue) =	ssetifvalue $0x7FFFFFFF;
	v1 =	vor.u32 $0x380, v0  }
0x44: {  	s16 =	sor.u32 s16, s16;
	s23 =	sadd.s32 $0x300, s18;
	(ifvalue) =	ssetifvalue $0x7FFFFFFF  }
0x45: {  	[tilespmem:s23], [sflag:$0x1] =	stream.indirect_vreg.gather [hbm4b:s2+s11], $0x1, v2, vm0, $0x4038;
	[tilespmem:$0x4400] =	vst v63  }
0x46: {  	s16 =	sor.u32 $0x380, s16;
	(ifvalue) =	ssetifvalue $0x7FFFFFFF;
	v2 =	vadd.s32 $0x7A1400, v0  }
0x47: {  	s16 =	sadd.s32 s16, s15;
	(ifvalue) =	ssetifvalue $0x7FFFFFFF  }
0x48: {  	[tilespmem:s16], [sflag:$0x1] =	stream.indirect_vreg.gather [hbm4b:s2+s11], $0x1, v1, vm0, $0x4038;
	[tilespmem:$0x4400] =	vst v63  }
0x49: {  	(ifvalue) =	ssetifvalue $0x7FFFFFFF;
	v1 =	vadd.s32 $0x7A1480, v0  }
0x4a: {  	s24 =	sadd.s32 $0x1000, s18;
	(ifvalue) =	ssetifvalue $0x7FFFFFFF  }
0x4b: {  	[tilespmem:s24], [sflag:$0x1] =	stream.indirect_vreg.gather [hbm4b:s2+s11], $0x1, v2, vm0, $0x4038;
	[tilespmem:$0x4400] =	vst v63  }
0x4c: {  	(ifvalue) =	ssetifvalue $0x7FFFFFFF;
	v2 =	vadd.s32 $0x7A1500, v0  }
0x4d: {  	s25 =	sadd.s32 $0x1080, s18;
	(ifvalue) =	ssetifvalue $0x7FFFFFFF  }
0x4e: {  	[tilespmem:s25], [sflag:$0x1] =	stream.indirect_vreg.gather [hbm4b:s2+s11], $0x1, v1, vm0, $0x4038;
	[tilespmem:$0x4400] =	vst v63  }
0x4f: {  	(ifvalue) =	ssetifvalue $0x7FFFFFFF;
	v1 =	vadd.s32 $0x7A1580, v0  }
0x50: {  	s26 =	sadd.s32 $0x1100, s18;
	(ifvalue) =	ssetifvalue $0x7FFFFFFF  }
0x51: {  	[tilespmem:s26], [sflag:$0x1] =	stream.indirect_vreg.gather [hbm4b:s2+s11], $0x1, v2, vm0, $0x4038;
	[tilespmem:$0x4400] =	vst v63  }
0x52: {  	(ifvalue) =	ssetifvalue $0x7FFFFFFF;
	v2 =	vadd.s32 $0x7A1600, v0  }
0x53: {  	s28 =	sadd.s32 $0x1180, s18;
	(ifvalue) =	ssetifvalue $0x7FFFFFFF  }
0x54: {  	[tilespmem:s28], [sflag:$0x1] =	stream.indirect_vreg.gather [hbm4b:s2+s11], $0x1, v1, vm0, $0x4038;
	[tilespmem:$0x4400] =	vst v63  }
0x55: {  	(ifvalue) =	ssetifvalue $0x7FFFFFFF;
	v1 =	vadd.s32 $0x7A1680, v0  }
0x56: {  	s29 =	sadd.s32 $0x1200, s18;
	(ifvalue) =	ssetifvalue $0x7FFFFFFF  }
0x57: {  	[tilespmem:s29], [sflag:$0x1] =	stream.indirect_vreg.gather [hbm4b:s2+s11], $0x1, v2, vm0, $0x4038;
	[tilespmem:$0x4400] =	vst v63  }
0x58: {  	(ifvalue) =	ssetifvalue $0x7FFFFFFF;
	v2 =	vadd.s32 $0x7A1700, v0  }
0x59: {  	s30 =	sadd.s32 $0x1280, s18;
	(ifvalue) =	ssetifvalue $0x7FFFFFFF  }
0x5a: {  	[tilespmem:s30], [sflag:$0x1] =	stream.indirect_vreg.gather [hbm4b:s2+s11], $0x1, v1, vm0, $0x4038;
	[tilespmem:$0x4400] =	vst v63  }
0x5b: {  	v0 =	vadd.s32 $0x7A1780, v0;
	(ifvalue) =	ssetifvalue $0x7FFFFFFF  }
0x5c: {  	s31 =	sadd.s32 $0x1300, s18;
	(ifvalue) =	ssetifvalue $0x7FFFFFFF  }
0x5d: {  	[tilespmem:s31], [sflag:$0x1] =	stream.indirect_vreg.gather [hbm4b:s2+s11], $0x1, v2, vm0, $0x4038;
	[tilespmem:$0x4400] =	vst v63  }
0x5e: {  	s17 =	sadd.s32 $0x10, s17;
	s19 =	sadd.s32 $0x1380, s18;
	(ifvalue) =	ssetifvalue $0x7FFFFFFF  }
0x5f: {  	s18 =	simm.s32 $0x80;
	s16 =	simm.s32 $0x10;
	(ifvalue) =	ssetifvalue $0x7FFFFFFF  }
.LBB2_3:
0x60: {  	[tilespmem:s19], [sflag:$0x1] =	stream.indirect_vreg.gather [hbm4b:s2+s11], $0x1, v0, vm0, $0x4038;
	[tilespmem:$0x4400] =	vst v63  }
0x61: {  	p1 =	sne.s32 s16, $0x1F0;
	s20 =	smov.u32 s16;
	s16 =	sadd.s32 $0x10, s16;
	v0 =	vld.msk [tilespmem:s17+$0x0 ss:$0x1], $0xffff  }
0x62: {  	(ifvalue) =	ssetifvalue $0x7FFFFFFF;
	_ =	sdelay $0x4  }
0x63: {  	vm1 =	vgt.s32 v0, $0x0  }
0x64: {  	v0 =	vnsel vm1, $0x0, v0  }
0x65: {  	v0 =	vmin.u32 v0, $0xF423F  }
0x66: {  	v1 =	vshll.u32 v0, $0x3  }
0x67: {  	v0 =	vand.u32 $0x7F, v0;
	v1 =	vand.u32 $0x7FFC00, v1  }
0x68: {  	v0 =	vor.u32 v0, v1;
	_ =	sdelay $0x1  }
0x69: {  	s19 =	sand.u32 $0xC00, s18  }
0x6a: {  	s21 =	sand.u32 $0x70, s20;
	s19 =	sadd.s32 s19, s15;
	v1 =	vor.u32 $0x80, v0  }
0x6b: {  	s19 =	sadd.s32 s21, s19;
	(ifvalue) =	ssetifvalue $0x7FFFFFFF  }
0x6c: {  	[tilespmem:s19], [sflag:$0x1] =	stream.indirect_vreg.gather [hbm4b:s2+s11], $0x1, v0, vm0, $0x4038;
	[tilespmem:$0x4400] =	vst v63  }
0x6d: {  	v2 =	vor.u32 $0x100, v0;
	(ifvalue) =	ssetifvalue $0x7FFFFFFF  }
0x6e: {  	s21 =	sadd.s32 $0x80, s19;
	(ifvalue) =	ssetifvalue $0x7FFFFFFF  }
0x6f: {  	[tilespmem:s21], [sflag:$0x1] =	stream.indirect_vreg.gather [hbm4b:s2+s11], $0x1, v1, vm0, $0x4038;
	[tilespmem:$0x4400] =	vst v63  }
0x70: {  	v1 =	vor.u32 $0x180, v0;
	(ifvalue) =	ssetifvalue $0x7FFFFFFF  }
0x71: {  	s21 =	sadd.s32 $0x100, s19;
	(ifvalue) =	ssetifvalue $0x7FFFFFFF  }
0x72: {  	[tilespmem:s21], [sflag:$0x1] =	stream.indirect_vreg.gather [hbm4b:s2+s11], $0x1, v2, vm0, $0x4038;
	[tilespmem:$0x4400] =	vst v63  }
0x73: {  	v2 =	vor.u32 $0x200, v0;
	(ifvalue) =	ssetifvalue $0x7FFFFFFF  }
0x74: {  	s21 =	sadd.s32 $0x180, s19;
	(ifvalue) =	ssetifvalue $0x7FFFFFFF  }
0x75: {  	[tilespmem:s21], [sflag:$0x1] =	stream.indirect_vreg.gather [hbm4b:s2+s11], $0x1, v1, vm0, $0x4038;
	[tilespmem:$0x4400] =	vst v63  }
0x76: {  	v1 =	vor.u32 $0x280, v0;
	(ifvalue) =	ssetifvalue $0x7FFFFFFF  }
0x77: {  	s21 =	sadd.s32 $0x200, s19;
	(ifvalue) =	ssetifvalue $0x7FFFFFFF  }
0x78: {  	[tilespmem:s21], [sflag:$0x1] =	stream.indirect_vreg.gather [hbm4b:s2+s11], $0x1, v2, vm0, $0x4038;
	[tilespmem:$0x4400] =	vst v63  }
0x79: {  	v2 =	vor.u32 $0x300, v0;
	(ifvalue) =	ssetifvalue $0x7FFFFFFF  }
0x7a: {  	s21 =	sadd.s32 $0x280, s19;
	(ifvalue) =	ssetifvalue $0x7FFFFFFF  }
0x7b: {  	[tilespmem:s21], [sflag:$0x1] =	stream.indirect_vreg.gather [hbm4b:s2+s11], $0x1, v1, vm0, $0x4038;
	[tilespmem:$0x4400] =	vst v63  }
0x7c: {  	v1 =	vor.u32 $0x380, v0;
	(ifvalue) =	ssetifvalue $0x7FFFFFFF  }
0x7d: {  	s20 =	sor.u32 s18, s20;
	s21 =	sadd.s32 $0x300, s19;
	(ifvalue) =	ssetifvalue $0x7FFFFFFF  }
0x7e: {  	[tilespmem:s21], [sflag:$0x1] =	stream.indirect_vreg.gather [hbm4b:s2+s11], $0x1, v2, vm0, $0x4038;
	[tilespmem:$0x4400] =	vst v63  }
0x7f: {  	s20 =	sor.u32 $0x380, s20;
	v2 =	vadd.s32 $0x7A1400, v0;
	(ifvalue) =	ssetifvalue $0x7FFFFFFF  }
0x80: {  	s20 =	sadd.s32 s20, s15;
	(ifvalue) =	ssetifvalue $0x7FFFFFFF  }
0x81: {  	[tilespmem:s20], [sflag:$0x1] =	stream.indirect_vreg.gather [hbm4b:s2+s11], $0x1, v1, vm0, $0x4038;
	[tilespmem:$0x4400] =	vst v63  }
0x82: {  	v1 =	vadd.s32 $0x7A1480, v0;
	(ifvalue) =	ssetifvalue $0x7FFFFFFF  }
0x83: {  	s20 =	sadd.s32 $0x1000, s19;
	(ifvalue) =	ssetifvalue $0x7FFFFFFF  }
0x84: {  	[tilespmem:s20], [sflag:$0x1] =	stream.indirect_vreg.gather [hbm4b:s2+s11], $0x1, v2, vm0, $0x4038;
	[tilespmem:$0x4400] =	vst v63  }
0x85: {  	v2 =	vadd.s32 $0x7A1500, v0;
	(ifvalue) =	ssetifvalue $0x7FFFFFFF  }
0x86: {  	s20 =	sadd.s32 $0x1080, s19;
	(ifvalue) =	ssetifvalue $0x7FFFFFFF  }
0x87: {  	[tilespmem:s20], [sflag:$0x1] =	stream.indirect_vreg.gather [hbm4b:s2+s11], $0x1, v1, vm0, $0x4038;
	[tilespmem:$0x4400] =	vst v63  }
0x88: {  	v1 =	vadd.s32 $0x7A1580, v0;
	(ifvalue) =	ssetifvalue $0x7FFFFFFF  }
0x89: {  	s20 =	sadd.s32 $0x1100, s19;
	(ifvalue) =	ssetifvalue $0x7FFFFFFF  }
0x8a: {  	[tilespmem:s20], [sflag:$0x1] =	stream.indirect_vreg.gather [hbm4b:s2+s11], $0x1, v2, vm0, $0x4038;
	[tilespmem:$0x4400] =	vst v63  }
0x8b: {  	v2 =	vadd.s32 $0x7A1600, v0;
	(ifvalue) =	ssetifvalue $0x7FFFFFFF  }
0x8c: {  	s20 =	sadd.s32 $0x1180, s19;
	(ifvalue) =	ssetifvalue $0x7FFFFFFF  }
0x8d: {  	[tilespmem:s20], [sflag:$0x1] =	stream.indirect_vreg.gather [hbm4b:s2+s11], $0x1, v1, vm0, $0x4038;
	[tilespmem:$0x4400] =	vst v63  }
0x8e: {  	v1 =	vadd.s32 $0x7A1680, v0;
	(ifvalue) =	ssetifvalue $0x7FFFFFFF  }
0x8f: {  	s20 =	sadd.s32 $0x1200, s19;
	(ifvalue) =	ssetifvalue $0x7FFFFFFF  }
0x90: {  	[tilespmem:s20], [sflag:$0x1] =	stream.indirect_vreg.gather [hbm4b:s2+s11], $0x1, v2, vm0, $0x4038;
	[tilespmem:$0x4400] =	vst v63  }
0x91: {  	v2 =	vadd.s32 $0x7A1700, v0;
	(ifvalue) =	ssetifvalue $0x7FFFFFFF  }
0x92: {  	s20 =	sadd.s32 $0x1280, s19;
	(ifvalue) =	ssetifvalue $0x7FFFFFFF  }
0x93: {  	[tilespmem:s20], [sflag:$0x1] =	stream.indirect_vreg.gather [hbm4b:s2+s11], $0x1, v1, vm0, $0x4038;
	[tilespmem:$0x4400] =	vst v63  }
.Ltmp3:
0x94: {  	v0 =	vadd.s32 $0x7A1780, v0;
	(ifvalue) =	ssetifvalue $0x7FFFFFFF;
	(pc) =	sbr.rel @p1 .LBB2_3-.Ltmp3, $4  }
0x95: {  	s20 =	sadd.s32 $0x1300, s19;
	(ifvalue) =	ssetifvalue $0x7FFFFFFF  }
0x96: {  	[tilespmem:s20], [sflag:$0x1] =	stream.indirect_vreg.gather [hbm4b:s2+s11], $0x1, v2, vm0, $0x4038;
	[tilespmem:$0x4400] =	vst v63  }
0x97: {  	s17 =	sadd.s32 $0x10, s17;
	(ifvalue) =	ssetifvalue $0x7FFFFFFF  }
0x98: {  	s18 =	sadd.s32 $0x80, s18;
	s19 =	sadd.s32 $0x1380, s19;
	(ifvalue) =	ssetifvalue $0x7FFFFFFF  }
.Ltmp4:
0x99: {  	_ = 	snop;
	(pc) =	sbr.rel .LBB2_4-.Ltmp4, $1  }
0x9a: {  	_ =	sdelay $0x3  }
.LBB2_6:
0x9b: {  	_ =	sfence.sel $0x180000  }
0x9c: {  	s2 =	simm.s32 $0x2;
	[bflag:$0x0] =	sbarrier.arrive $0xFFFF  }
0x9d: {  	s30 =	simm.s32 $0x3;
	[sflag:s2] =	ssyncpa.u1 $0x1  }
0x9e: {  	s31 =	simm.s32 $0x1;
	[sflag:s30] =	ssyncpa.u1 $0x1  }
0x9f: {  	[sflag:s31] =	ssyncpa.u1 $0x1  }
0xa0: {  	p0 =	sne.s32 s0, $0x0;
	_ =	strace $0x90000047  }
0xa1: {  	s0 =	sadd.s32 @!p0 $0x100000, s1;
	[bflag:$0x2] =	sbarrier.arrive $0xFFFF  }
0xa2: {  	[sflag:s0] =	ssyncadd.tile.s32 @!p0 $0x1;
	_ =	shalt  }
.Lfunc_end2:
_tile_overlayer_lowered:
.L_overlay_start_2:
0xa3: {  	(tag) =	ssettag $0x2  }
0xa4: {  	s0 =	rddreg [dreg:$0x0];
	s2 =	stileid.u32  }
0xa5: {  	s1 =	rddreg [dreg:$0x1];
	p0 =	sne.s32 s2, $0x0  }
0xa6: {  	s3 =	rddreg [dreg:$0x2];
	[bflag:$0x3] =	sbarrier.arrive $0xFFFF;
	s2 =	simm.s32 @!p0 $0x1C01  }
0xa7: {  	[timem:s3], [sflag:s2] =	dma.local @!p0 [hbm:s0], s1  }
0xa8: {  	s0 =	simm.s32 @!p0 $0x1  }
0xa9: {  	_ =	swait.ge @!p0 [sflag:s0], s1  }
0xaa: {  	s1 =	ssub.s32 @!p0 $0x0, s1;
	[sflag:s0] =	ssyncset.done @!p0 $0x0  }
0xab: {  	[sflag:s0] =	ssyncadd.s32 @!p0 s1  }
0xac: {  	[bflag:$0x3] =	sbarrier.arrive $0xFFFF  }
0xad: {  	_ =	shalt  }

</sc_bundles>
